<compile_context>
chip_gen: v7x
topology: tpu7x:2x2x1
jax: 0.10.2.dev20260603
libtpu: 0.0.44.dev20260713+nightly
codegen_flags: <defaults>
</compile_context>

<pallas_src>
import functools

import jax
import jax.numpy as jnp
from jax import lax
from jax.experimental import pallas as pl
from jax.experimental.pallas import tpu as pltpu
from jax.experimental.pallas import tpu_sc as plsc

B = 4096
NUM_IDS = 1000000
SEQ_LEN = 50
N_TOK = B * SEQ_LEN
ID_EMB = 32
ING_EMB = 32
ING_RAW = 64
OUT_SIZE = 64

CHUNK = 128
NW = 32
TOK_PER_W = N_TOK // NW
CPW = TOK_PER_W // CHUNK
CHUNKS_PER_L = B // CHUNK

TRB = 16384
S_STRIDE = 16 * TRB
N_TBLK = S_STRIDE // TRB
MAX_TBLK = (NUM_IDS + TRB - 1) // TRB - 1


def _pack_body(b0_ref, b1_ref, b2_ref, b3_ref, eye_ref, out_ref):
    i = pl.program_id(0)
    col = (3 * S_STRIDE + i * TRB
           + lax.broadcasted_iota(jnp.int32, (ID_EMB, TRB), 1))
    b3 = jnp.where(col < NUM_IDS, b3_ref[...], 0.0)
    x = jnp.concatenate(
        [b0_ref[...], b1_ref[...], b2_ref[...], b3], axis=0)
    out_ref[...] = lax.dot_general(
        x, eye_ref[...], (((0,), (0,)), ((), ())),
        preferred_element_type=jnp.float32)


def _tc_pack(tblT, eye):
    def mk(s):
        return pl.BlockSpec(
            (ID_EMB, TRB),
            lambda i: (0, jnp.minimum(s * N_TBLK + i, MAX_TBLK)))
    return pl.pallas_call(
        _pack_body,
        grid=(N_TBLK,),
        in_specs=[mk(0), mk(1), mk(2), mk(3),
                  pl.BlockSpec((128, 128), lambda i: (0, 0))],
        out_specs=pl.BlockSpec((TRB, 128), lambda i: (i, 0)),
        out_shape=jax.ShapeDtypeStruct((S_STRIDE, 128), jnp.float32),
    )(tblT, tblT, tblT, tblT, eye)


def _gather_body(table_hbm, idx_hbm, out_hbm, idx_v, rows0, rows1, sem0, sem1):
    nc = 2
    wid = lax.axis_index("s") * nc + lax.axis_index("c")

    pltpu.sync_copy(idx_hbm.at[wid], idx_v)

    def start(j, rows, sem):
        pltpu.async_copy(table_hbm.at[idx_v.at[j]], rows, sem)

    def wait(j, rows, sem):
        pltpu.make_async_copy(table_hbm.at[idx_v.at[j]], rows, sem).wait()

    def write(j, rows):
        c = wid * CPW + j
        l = lax.shift_right_logical(c, 5)
        b0 = pl.multiple_of(
            lax.shift_left(lax.bitwise_and(c, CHUNKS_PER_L - 1), 7), CHUNK)
        pltpu.sync_copy(rows, out_hbm.at[l, pl.ds(b0, CHUNK),
                                         pl.ds(0, ID_EMB)])

    start(0, rows0, sem0)

    def body2(jj, carry):
        j0 = jj * 2
        start(j0 + 1, rows1, sem1)
        wait(j0, rows0, sem0)
        write(j0, rows0)

        @pl.when(jj + 1 < CPW // 2)
        def _():
            start(j0 + 2, rows0, sem0)

        wait(j0 + 1, rows1, sem1)
        write(j0 + 1, rows1)
        return carry

    lax.fori_loop(0, CPW // 2, body2, 0)


@jax.jit
def _sc_gather(table_lin, idx_3d):
    mesh = plsc.VectorSubcoreMesh(core_axis_name="c", subcore_axis_name="s")
    fn = pl.kernel(
        _gather_body,
        mesh=mesh,
        out_type=jax.ShapeDtypeStruct((SEQ_LEN, B, 128), jnp.float32),
        scratch_types=[
            pltpu.VMEM((CPW, CHUNK), jnp.int32),
            pltpu.VMEM((CHUNK, ID_EMB), jnp.float32),
            pltpu.VMEM((CHUNK, ID_EMB), jnp.float32),
            pltpu.SemaphoreType.DMA,
            pltpu.SemaphoreType.DMA,
        ],
        compiler_params=pltpu.CompilerParams(use_tc_tiling_on_sc=False),
    )
    return fn(table_lin, idx_3d)


B2 = 4096


def _dense_body(xid_ref, ingt_ref, wingT_ref, bing_ref, w1T_ref, w2T_ref,
                bout_ref, out_ref):
    xing = jnp.tanh(
        jnp.dot(wingT_ref[...], ingt_ref[0], preferred_element_type=jnp.float32)
        + bing_ref[...]
    )
    acc = lax.dot_general(
        w1T_ref[...], xid_ref[0][:, :ID_EMB], (((1,), (1,)), ((), ())),
        preferred_element_type=jnp.float32)
    acc = acc + jnp.dot(w2T_ref[...], xing, preferred_element_type=jnp.float32)
    out_ref[0] = jnp.tanh(acc + bout_ref[...])


def _tc_dense(x_id_lm, ing_t, wingT, bing, w1T, w2T, bout):
    grid = (SEQ_LEN, B // B2)
    return pl.pallas_call(
        _dense_body,
        grid=grid,
        in_specs=[
            pl.BlockSpec((1, B2, 128), lambda l, b: (l, b, 0)),
            pl.BlockSpec((1, ING_RAW, B2), lambda l, b: (l, 0, b)),
            pl.BlockSpec((ING_EMB, ING_RAW), lambda l, b: (0, 0)),
            pl.BlockSpec((ING_EMB, 1), lambda l, b: (0, 0)),
            pl.BlockSpec((OUT_SIZE, ID_EMB), lambda l, b: (0, 0)),
            pl.BlockSpec((OUT_SIZE, ING_EMB), lambda l, b: (0, 0)),
            pl.BlockSpec((OUT_SIZE, 1), lambda l, b: (0, 0)),
        ],
        out_specs=pl.BlockSpec((1, OUT_SIZE, B2), lambda l, b: (l, 0, b)),
        out_shape=jax.ShapeDtypeStruct((SEQ_LEN, OUT_SIZE, B), jnp.float32),
    )(x_id_lm, ing_t, wingT, bing, w1T, w2T, bout)


def kernel(recipe_id, ing, other_features, id_table, W_ing, b_ing, W_out, b_out):
    idx = recipe_id.astype(jnp.int32)
    s = ((idx >= S_STRIDE).astype(jnp.int32)
         + (idx >= 2 * S_STRIDE).astype(jnp.int32)
         + (idx >= 3 * S_STRIDE).astype(jnp.int32))
    p = ((idx - s * S_STRIDE) << 2) + s
    idx_3d = p.transpose(1, 0).reshape(NW, CPW, CHUNK)
    tblT = id_table.transpose(1, 0)
    packed = _tc_pack(tblT, jnp.eye(128, dtype=jnp.float32))
    table_lin = packed.reshape(4 * S_STRIDE, ID_EMB)
    x_id_lm = _sc_gather(table_lin, idx_3d)
    ing_t = jnp.transpose(ing, (1, 2, 0))
    out_t = _tc_dense(
        x_id_lm, ing_t,
        W_ing.T,
        b_ing.reshape(ING_EMB, 1),
        W_out[:ID_EMB].T,
        W_out[ID_EMB:].T,
        b_out.reshape(OUT_SIZE, 1),
    )
    return jnp.transpose(out_t, (2, 0, 1))

# --- scband reference (transcript-rebuilt; emitter-appended) ---
"""Pipeline reference for scband-recipe-embedding-12326556139765 (READ-ONLY COPY).

The authoritative reference and input builder live on the scoring server;
editing this copy changes nothing except your own understanding.
"""

import jax, jax.numpy as jnp
import numpy as np

NUM_IDS = 1000000
ID_EMB = 32
ING_EMB = 32
SEQ_LEN = 50
OUT_SIZE = 64
B = 4096
ING_RAW = 64
OTHER_RAW = 16


def setup_inputs(seed: int = 0) -> dict:
    key = jax.random.key(seed)
    k1, k2, k3, k4, k5, k6, k7, k8, k9 = jax.random.split(key, 9)
    recipe_id = jax.random.randint(k1, (B, SEQ_LEN), 0, NUM_IDS, dtype=jnp.int64 if jax.config.jax_enable_x64 else jnp.int32)
    ing = jax.random.normal(k2, (B, SEQ_LEN, ING_RAW), dtype=jnp.float32)
    other_features = jax.random.normal(k3, (B, SEQ_LEN, OTHER_RAW), dtype=jnp.float32)
    # learned parameters
    id_table = jax.random.normal(k4, (NUM_IDS, ID_EMB), dtype=jnp.float32) * 0.05
    W_ing = jax.random.normal(k5, (ING_RAW, ING_EMB), dtype=jnp.float32) * (1.0 / np.sqrt(ING_RAW))
    b_ing = jnp.zeros((ING_EMB,), dtype=jnp.float32)
    W_out = jax.random.normal(k6, (ID_EMB + ING_EMB, OUT_SIZE), dtype=jnp.float32) * (1.0 / np.sqrt(ID_EMB + ING_EMB))
    b_out = jnp.zeros((OUT_SIZE,), dtype=jnp.float32)
    return {
        "recipe_id": recipe_id,
        "ing": ing,
        "other_features": other_features,
        "id_table": id_table,
        "W_ing": W_ing,
        "b_ing": b_ing,
        "W_out": W_out,
        "b_out": b_out,
    }


def reference(recipe_id, ing, other_features, id_table, W_ing, b_ing, W_out, b_out):
    # positional=False path of RecipeEmbedding.call
    x_id = jnp.take(id_table, recipe_id, axis=0)          # [B, L, ID_EMB]
    x_ing = jnp.tanh(ing @ W_ing + b_ing)                 # [B, L, ING_EMB]
    x = jnp.concatenate([x_id, x_ing], axis=-1)           # [B, L, ID_EMB+ING_EMB]
    x = jnp.tanh(x @ W_out + b_out)                       # [B, L, OUT_SIZE]
    return x

if __name__ == "__main__":
    import jax
    _d = setup_inputs()
    print(jax.jit(kernel)(*tuple(_d.values())))

</pallas_src>

<mosaic_0001>
#map = affine_map<(d0, d1) -> (0, 0)>
#map1 = affine_map<(d0, d1) -> (0, 0, 0)>
module attributes {stable_mosaic.version = 14 : i64} {
  func.func @_gather_body(%arg0: i32, %arg1: i32, %arg2: memref<1048576x32xf32, #tpu.memory_space<hbm>>, %arg3: memref<32x50x128xi32, #tpu.memory_space<hbm>>, %arg4: memref<50x4096x128xf32, #tpu.memory_space<hbm>>, %arg5: memref<50x128xi32, #tpu.memory_space<vmem>>, %arg6: memref<128x32xf32, #tpu.memory_space<vmem>>, %arg7: memref<128x32xf32, #tpu.memory_space<vmem>>, %arg8: memref<!tpu.dma_semaphore, #tpu.memory_space<semaphore_mem>>, %arg9: memref<!tpu.dma_semaphore, #tpu.memory_space<semaphore_mem>>) attributes {dimension_semantics = [#tpu.dimension_semantics<core_parallel>, #tpu.dimension_semantics<subcore_parallel>], iteration_bounds = array<i64: 2, 16>, scalar_prefetch = 0 : i64, scratch_operands = 5 : i64, tpu.core_type = #tpu.core_type<sc_vector_subcore>, window_params = [{transform_indices = #map}, {transform_indices = #map1}, {transform_indices = #map1}]} {
    %mul3A = arith.constant 2 : i32
    %mul3A_0 = arith.muli %arg1, %mul3A : i32
    %add3A = arith.addi %mul3A_0, %arg0 : i32
    "tpu.region"() ({
      %run_scoped3A = tpu.sem_alloc : memref<!tpu.dma_semaphore, #tpu.memory_space<semaphore_mem>>
      %dma_start3A_12 = arith.constant 0 : i32
      %dma_start3A_13 = arith.constant 0 : i32
      %dma_start3A_14 = tpu.memref_slice %arg3[%add3A, %dma_start3A_12, %dma_start3A_13] : memref<32x50x128xi32, #tpu.memory_space<hbm>> -> memref<1x50x128xi32, #tpu.memory_space<hbm>>
      %dma_start3A_15 = tpu.memref_squeeze %dma_start3A_14 : memref<1x50x128xi32, #tpu.memory_space<hbm>> -> memref<50x128xi32, #tpu.memory_space<hbm>>
      %dma_start3A_16 = arith.constant 0 : i32
      %dma_start3A_17 = arith.constant 0 : i32
      %dma_start3A_18 = tpu.memref_slice %arg3[%add3A, %dma_start3A_16, %dma_start3A_17] : memref<32x50x128xi32, #tpu.memory_space<hbm>> -> memref<1x50x128xi32, #tpu.memory_space<hbm>>
      %dma_start3A_19 = tpu.memref_squeeze %dma_start3A_18 : memref<1x50x128xi32, #tpu.memory_space<hbm>> -> memref<50x128xi32, #tpu.memory_space<hbm>>
      tpu.enqueue_dma source(%dma_start3A_19 : memref<50x128xi32, #tpu.memory_space<hbm>>) target(%arg5 : memref<50x128xi32, #tpu.memory_space<vmem>>) target_semaphore(%run_scoped3A : memref<!tpu.dma_semaphore, #tpu.memory_space<semaphore_mem>>)
      %dma_wait3A = arith.constant 0 : i32
      %dma_wait3A_20 = arith.constant 0 : i32
      %dma_wait3A_21 = tpu.memref_slice %arg3[%add3A, %dma_wait3A, %dma_wait3A_20] : memref<32x50x128xi32, #tpu.memory_space<hbm>> -> memref<1x50x128xi32, #tpu.memory_space<hbm>>
      %dma_wait3A_22 = tpu.memref_squeeze %dma_wait3A_21 : memref<1x50x128xi32, #tpu.memory_space<hbm>> -> memref<50x128xi32, #tpu.memory_space<hbm>>
      %dma_wait3A_23 = arith.constant 0 : i32
      %dma_wait3A_24 = arith.constant 0 : i32
      %dma_wait3A_25 = tpu.memref_slice %arg3[%add3A, %dma_wait3A_23, %dma_wait3A_24] : memref<32x50x128xi32, #tpu.memory_space<hbm>> -> memref<1x50x128xi32, #tpu.memory_space<hbm>>
      %dma_wait3A_26 = tpu.memref_squeeze %dma_wait3A_25 : memref<1x50x128xi32, #tpu.memory_space<hbm>> -> memref<50x128xi32, #tpu.memory_space<hbm>>
      tpu.wait_dma2 semaphore(%run_scoped3A : memref<!tpu.dma_semaphore, #tpu.memory_space<semaphore_mem>>) src(%dma_wait3A_26 : memref<50x128xi32, #tpu.memory_space<hbm>>) dst(%arg5 : memref<50x128xi32, #tpu.memory_space<vmem>>)
      tpu.yield
    }) : () -> ()
    %dma_start3A = arith.constant 0 : i32
    %dma_start3A_1 = arith.constant 0 : i32
    %dma_start3A_2 = tpu.memref_slice %arg5[%dma_start3A, %dma_start3A_1] : memref<50x128xi32, #tpu.memory_space<vmem>> -> memref<1x128xi32, #tpu.memory_space<vmem>>
    %dma_start3A_3 = tpu.memref_squeeze %dma_start3A_2 : memref<1x128xi32, #tpu.memory_space<vmem>> -> memref<128xi32, #tpu.memory_space<vmem>>
    %dma_start3A_4 = arith.constant 0 : i32
    %dma_start3A_5 = arith.constant 0 : i32
    %dma_start3A_6 = tpu.memref_slice %arg2[%dma_start3A_4, %dma_start3A_5] : memref<1048576x32xf32, #tpu.memory_space<hbm>> -> memref<1048576x32xf32, #tpu.memory_space<hbm>>
    tpu.enqueue_indirect_dma source(%dma_start3A_6 : memref<1048576x32xf32, #tpu.memory_space<hbm>>) target(%arg6 : memref<128x32xf32, #tpu.memory_space<vmem>>) offsets(%dma_start3A_3 : memref<128xi32, #tpu.memory_space<vmem>>) semaphore(%arg8 : memref<!tpu.dma_semaphore, #tpu.memory_space<semaphore_mem>>)
    %scan3A = arith.constant 0 : i32
    %scan3A_7 = arith.constant 0 : i32
    %scan3A_8 = arith.constant 25 : i32
    %scan3A_9 = arith.addi %scan3A_7, %scan3A_8 : i32
    %scan3A_10 = arith.constant 1 : i32
    scf.for %scan3A_12 = %scan3A_7 to %scan3A_9 step %scan3A_10  : i32 {
      %mul3A_13 = arith.constant 2 : i32
      %mul3A_14 = arith.muli %scan3A_12, %mul3A_13 : i32
      %add3A_15 = arith.constant 1 : i32
      %add3A_16 = arith.addi %mul3A_14, %add3A_15 : i32
      %dma_start3A_17 = arith.constant 0 : i32
      %dma_start3A_18 = tpu.memref_slice %arg5[%add3A_16, %dma_start3A_17] : memref<50x128xi32, #tpu.memory_space<vmem>> -> memref<1x128xi32, #tpu.memory_space<vmem>>
      %dma_start3A_19 = tpu.memref_squeeze %dma_start3A_18 : memref<1x128xi32, #tpu.memory_space<vmem>> -> memref<128xi32, #tpu.memory_space<vmem>>
      %dma_start3A_20 = arith.constant 0 : i32
      %dma_start3A_21 = arith.constant 0 : i32
      %dma_start3A_22 = tpu.memref_slice %arg2[%dma_start3A_20, %dma_start3A_21] : memref<1048576x32xf32, #tpu.memory_space<hbm>> -> memref<1048576x32xf32, #tpu.memory_space<hbm>>
      tpu.enqueue_indirect_dma source(%dma_start3A_22 : memref<1048576x32xf32, #tpu.memory_space<hbm>>) target(%arg7 : memref<128x32xf32, #tpu.memory_space<vmem>>) offsets(%dma_start3A_19 : memref<128xi32, #tpu.memory_space<vmem>>) semaphore(%arg9 : memref<!tpu.dma_semaphore, #tpu.memory_space<semaphore_mem>>)
      %dma_wait3A = arith.constant 0 : i32
      %dma_wait3A_23 = tpu.memref_slice %arg5[%mul3A_14, %dma_wait3A] : memref<50x128xi32, #tpu.memory_space<vmem>> -> memref<1x128xi32, #tpu.memory_space<vmem>>
      %dma_wait3A_24 = tpu.memref_squeeze %dma_wait3A_23 : memref<1x128xi32, #tpu.memory_space<vmem>> -> memref<128xi32, #tpu.memory_space<vmem>>
      %dma_wait3A_25 = arith.constant 0 : i32
      %dma_wait3A_26 = arith.constant 0 : i32
      %dma_wait3A_27 = tpu.memref_slice %arg2[%dma_wait3A_25, %dma_wait3A_26] : memref<1048576x32xf32, #tpu.memory_space<hbm>> -> memref<1048576x32xf32, #tpu.memory_space<hbm>>
      tpu.wait_indirect_dma semaphore(%arg8 : memref<!tpu.dma_semaphore, #tpu.memory_space<semaphore_mem>>) src(%dma_wait3A_27 : memref<1048576x32xf32, #tpu.memory_space<hbm>>) dst(%arg6 : memref<128x32xf32, #tpu.memory_space<vmem>>)
      %mul3A_28 = arith.constant 50 : i32
      %mul3A_29 = arith.muli %add3A, %mul3A_28 : i32
      %add3A_30 = arith.addi %mul3A_29, %mul3A_14 : i32
      %shift_right_logical3A = arith.constant 5 : i32
      %shift_right_logical3A_31 = arith.shrui %add3A_30, %shift_right_logical3A : i32
      %and3A = arith.constant 31 : i32
      %and3A_32 = arith.andi %add3A_30, %and3A : i32
      %shift_left3A = arith.constant 7 : i32
      %shift_left3A_33 = arith.shli %and3A_32, %shift_left3A : i32
      %multiple_of3A = tpu.assume_multiple %shift_left3A_33, 128 : i32
      "tpu.region"() ({
        %run_scoped3A = tpu.sem_alloc : memref<!tpu.dma_semaphore, #tpu.memory_space<semaphore_mem>>
        %dma_start3A_58 = arith.constant 0 : i32
        %dma_start3A_59 = tpu.memref_slice %arg4[%shift_right_logical3A_31, %multiple_of3A, %dma_start3A_58] : memref<50x4096x128xf32, #tpu.memory_space<hbm>> -> memref<1x128x32xf32, #tpu.memory_space<hbm>>
        %dma_start3A_60 = tpu.memref_squeeze %dma_start3A_59 : memref<1x128x32xf32, #tpu.memory_space<hbm>> -> memref<128x32xf32, #tpu.memory_space<hbm>>
        %dma_start3A_61 = arith.constant 0 : i32
        %dma_start3A_62 = tpu.memref_slice %arg4[%shift_right_logical3A_31, %multiple_of3A, %dma_start3A_61] : memref<50x4096x128xf32, #tpu.memory_space<hbm>> -> memref<1x128x32xf32, #tpu.memory_space<hbm>>
        %dma_start3A_63 = tpu.memref_squeeze %dma_start3A_62 : memref<1x128x32xf32, #tpu.memory_space<hbm>> -> memref<128x32xf32, #tpu.memory_space<hbm>>
        tpu.enqueue_dma source(%arg6 : memref<128x32xf32, #tpu.memory_space<vmem>>) target(%dma_start3A_63 : memref<128x32xf32, #tpu.memory_space<hbm>>) target_semaphore(%run_scoped3A : memref<!tpu.dma_semaphore, #tpu.memory_space<semaphore_mem>>)
        %dma_wait3A_64 = arith.constant 0 : i32
        %dma_wait3A_65 = tpu.memref_slice %arg4[%shift_right_logical3A_31, %multiple_of3A, %dma_wait3A_64] : memref<50x4096x128xf32, #tpu.memory_space<hbm>> -> memref<1x128x32xf32, #tpu.memory_space<hbm>>
        %dma_wait3A_66 = tpu.memref_squeeze %dma_wait3A_65 : memref<1x128x32xf32, #tpu.memory_space<hbm>> -> memref<128x32xf32, #tpu.memory_space<hbm>>
        %dma_wait3A_67 = arith.constant 0 : i32
        %dma_wait3A_68 = tpu.memref_slice %arg4[%shift_right_logical3A_31, %multiple_of3A, %dma_wait3A_67] : memref<50x4096x128xf32, #tpu.memory_space<hbm>> -> memref<1x128x32xf32, #tpu.memory_space<hbm>>
        %dma_wait3A_69 = tpu.memref_squeeze %dma_wait3A_68 : memref<1x128x32xf32, #tpu.memory_space<hbm>> -> memref<128x32xf32, #tpu.memory_space<hbm>>
        tpu.wait_dma2 semaphore(%run_scoped3A : memref<!tpu.dma_semaphore, #tpu.memory_space<semaphore_mem>>) src(%arg6 : memref<128x32xf32, #tpu.memory_space<vmem>>) dst(%dma_wait3A_69 : memref<128x32xf32, #tpu.memory_space<hbm>>)
        tpu.yield
      }) : () -> ()
      %add3A_34 = arith.constant 1 : i32
      %add3A_35 = arith.addi %scan3A_12, %add3A_34 : i32
      %lt3A = arith.constant 25 : i32
      %lt3A_36 = arith.cmpi slt, %add3A_35, %lt3A : i32
      %convert_element_type3A = arith.extui %lt3A_36 : i1 to i32
      %cond3A = arith.constant 0 : i32
      %cond3A_37 = arith.cmpi ne, %convert_element_type3A, %cond3A : i32
      scf.if %cond3A_37 {
        %add3A_58 = arith.constant 2 : i32
        %add3A_59 = arith.addi %mul3A_14, %add3A_58 : i32
        %dma_start3A_60 = arith.constant 0 : i32
        %dma_start3A_61 = tpu.memref_slice %arg5[%add3A_59, %dma_start3A_60] : memref<50x128xi32, #tpu.memory_space<vmem>> -> memref<1x128xi32, #tpu.memory_space<vmem>>
        %dma_start3A_62 = tpu.memref_squeeze %dma_start3A_61 : memref<1x128xi32, #tpu.memory_space<vmem>> -> memref<128xi32, #tpu.memory_space<vmem>>
        %dma_start3A_63 = arith.constant 0 : i32
        %dma_start3A_64 = arith.constant 0 : i32
        %dma_start3A_65 = tpu.memref_slice %arg2[%dma_start3A_63, %dma_start3A_64] : memref<1048576x32xf32, #tpu.memory_space<hbm>> -> memref<1048576x32xf32, #tpu.memory_space<hbm>>
        tpu.enqueue_indirect_dma source(%dma_start3A_65 : memref<1048576x32xf32, #tpu.memory_space<hbm>>) target(%arg6 : memref<128x32xf32, #tpu.memory_space<vmem>>) offsets(%dma_start3A_62 : memref<128xi32, #tpu.memory_space<vmem>>) semaphore(%arg8 : memref<!tpu.dma_semaphore, #tpu.memory_space<semaphore_mem>>)
      } else {
      }
      %add3A_38 = arith.constant 1 : i32
      %add3A_39 = arith.addi %mul3A_14, %add3A_38 : i32
      %dma_wait3A_40 = arith.constant 0 : i32
      %dma_wait3A_41 = tpu.memref_slice %arg5[%add3A_39, %dma_wait3A_40] : memref<50x128xi32, #tpu.memory_space<vmem>> -> memref<1x128xi32, #tpu.memory_space<vmem>>
      %dma_wait3A_42 = tpu.memref_squeeze %dma_wait3A_41 : memref<1x128xi32, #tpu.memory_space<vmem>> -> memref<128xi32, #tpu.memory_space<vmem>>
      %dma_wait3A_43 = arith.constant 0 : i32
      %dma_wait3A_44 = arith.constant 0 : i32
      %dma_wait3A_45 = tpu.memref_slice %arg2[%dma_wait3A_43, %dma_wait3A_44] : memref<1048576x32xf32, #tpu.memory_space<hbm>> -> memref<1048576x32xf32, #tpu.memory_space<hbm>>
      tpu.wait_indirect_dma semaphore(%arg9 : memref<!tpu.dma_semaphore, #tpu.memory_space<semaphore_mem>>) src(%dma_wait3A_45 : memref<1048576x32xf32, #tpu.memory_space<hbm>>) dst(%arg7 : memref<128x32xf32, #tpu.memory_space<vmem>>)
      %add3A_46 = arith.constant 1 : i32
      %add3A_47 = arith.addi %mul3A_14, %add3A_46 : i32
      %mul3A_48 = arith.constant 50 : i32
      %mul3A_49 = arith.muli %add3A, %mul3A_48 : i32
      %add3A_50 = arith.addi %mul3A_49, %add3A_47 : i32
      %shift_right_logical3A_51 = arith.constant 5 : i32
      %shift_right_logical3A_52 = arith.shrui %add3A_50, %shift_right_logical3A_51 : i32
      %and3A_53 = arith.constant 31 : i32
      %and3A_54 = arith.andi %add3A_50, %and3A_53 : i32
      %shift_left3A_55 = arith.constant 7 : i32
      %shift_left3A_56 = arith.shli %and3A_54, %shift_left3A_55 : i32
      %multiple_of3A_57 = tpu.assume_multiple %shift_left3A_56, 128 : i32
      "tpu.region"() ({
        %run_scoped3A = tpu.sem_alloc : memref<!tpu.dma_semaphore, #tpu.memory_space<semaphore_mem>>
        %dma_start3A_58 = arith.constant 0 : i32
        %dma_start3A_59 = tpu.memref_slice %arg4[%shift_right_logical3A_52, %multiple_of3A_57, %dma_start3A_58] : memref<50x4096x128xf32, #tpu.memory_space<hbm>> -> memref<1x128x32xf32, #tpu.memory_space<hbm>>
        %dma_start3A_60 = tpu.memref_squeeze %dma_start3A_59 : memref<1x128x32xf32, #tpu.memory_space<hbm>> -> memref<128x32xf32, #tpu.memory_space<hbm>>
        %dma_start3A_61 = arith.constant 0 : i32
        %dma_start3A_62 = tpu.memref_slice %arg4[%shift_right_logical3A_52, %multiple_of3A_57, %dma_start3A_61] : memref<50x4096x128xf32, #tpu.memory_space<hbm>> -> memref<1x128x32xf32, #tpu.memory_space<hbm>>
        %dma_start3A_63 = tpu.memref_squeeze %dma_start3A_62 : memref<1x128x32xf32, #tpu.memory_space<hbm>> -> memref<128x32xf32, #tpu.memory_space<hbm>>
        tpu.enqueue_dma source(%arg7 : memref<128x32xf32, #tpu.memory_space<vmem>>) target(%dma_start3A_63 : memref<128x32xf32, #tpu.memory_space<hbm>>) target_semaphore(%run_scoped3A : memref<!tpu.dma_semaphore, #tpu.memory_space<semaphore_mem>>)
        %dma_wait3A_64 = arith.constant 0 : i32
        %dma_wait3A_65 = tpu.memref_slice %arg4[%shift_right_logical3A_52, %multiple_of3A_57, %dma_wait3A_64] : memref<50x4096x128xf32, #tpu.memory_space<hbm>> -> memref<1x128x32xf32, #tpu.memory_space<hbm>>
        %dma_wait3A_66 = tpu.memref_squeeze %dma_wait3A_65 : memref<1x128x32xf32, #tpu.memory_space<hbm>> -> memref<128x32xf32, #tpu.memory_space<hbm>>
        %dma_wait3A_67 = arith.constant 0 : i32
        %dma_wait3A_68 = tpu.memref_slice %arg4[%shift_right_logical3A_52, %multiple_of3A_57, %dma_wait3A_67] : memref<50x4096x128xf32, #tpu.memory_space<hbm>> -> memref<1x128x32xf32, #tpu.memory_space<hbm>>
        %dma_wait3A_69 = tpu.memref_squeeze %dma_wait3A_68 : memref<1x128x32xf32, #tpu.memory_space<hbm>> -> memref<128x32xf32, #tpu.memory_space<hbm>>
        tpu.wait_dma2 semaphore(%run_scoped3A : memref<!tpu.dma_semaphore, #tpu.memory_space<semaphore_mem>>) src(%arg7 : memref<128x32xf32, #tpu.memory_space<vmem>>) dst(%dma_wait3A_69 : memref<128x32xf32, #tpu.memory_space<hbm>>)
        tpu.yield
      }) : () -> ()
    }
    %scan3A_11 = arith.constant 25 : i32
    return
  }
}

</mosaic_0001>

<sc_bundles>
// kernel: _sc_gather.3.cloned.1.call-start
scs
__scs_entry_jumppad:
0x0: {  	(pc) =	sbr.rel $0x88, $3  }
0x1: {  	(tag) =	ssettag $0x0;
	lr =	simm.s32 $0x1  }
0x2: {  	[smem:$0x3F9F] =	sst lr;
	_ =	strace $0xD0000000  }
0x3: {  	_ = 	snop  }
0x4: {  	_ = 	snop  }
0x5: {  	_ = 	snop  }
0x6: {  	_ = 	snop  }
0x7: {  	_ = 	snop  }
__scs_overlays_trampoline_lowered:
0x8: {  	[smem:$0x3FAE] =	sst s0  }
0x9: {  	[smem:$0x3FAF] =	sst s1  }
0xa: {  	[smem:$0x3FB0] =	sst s2  }
0xb: {  	[smem:$0x3FB1] =	sst s3  }
0xc: {  	[smem:$0x3FB2] =	sst s4  }
0xd: {  	[smem:$0x3FB3] =	sst s5  }
0xe: {  	[smem:$0x3FB4] =	sst s6  }
0xf: {  	[smem:$0x3FB5] =	sst s7  }
0x10: {  	[smem:$0x3FB6] =	sst s8  }
0x11: {  	[smem:$0x3FB7] =	sst s9;
	s0 =	simm.s32 @!p0 $0x0  }
0x12: {  	s1 =	sld [smem:$0x3F9D];
	s0 =	simm.s32 @p0 $0x1  }
0x13: {  	[smem:$0x3FB8] =	sst s0;
	s0 =	simm.s32 @!p1 $0x0  }
0x14: {  	s2 =	sld [smem:$0x3F9C];
	s0 =	simm.s32 @p1 $0x1  }
0x15: {  	[smem:$0x3FB9] =	sst s0;
	s0 =	simm.s32 @!p2 $0x0  }
0x16: {  	s3 =	sld [smem:$0x3FDB];
	s0 =	simm.s32 @p2 $0x1  }
0x17: {  	s4 =	simm.s32 $0x1BF5;
	[smem:$0x3FBB] =	sst s0  }
0x18: {  	s0 =	sld [smem:$0x3F9E];
	_ =	swait.ge [sflag:s4], $0x0  }
0x19: {  	s7 =	sld [smem:$0x3F9F]  }
0x1a: {  	s8 =	sadd.s32 $0xFFFFE003, lr  }
0x1b: {  	s9 =	sadd.s32 $0xFFFFFEF7, lr;
	s5 =	simm.s32 $0xFFFFFFFF;
	p2 =	slt.u32 s8, $0xFFFFF086  }
0x1c: {  	p1 =	slt.u32 s9, $0xF7A;
	s5 =	simm.s32 @!p2 $0x0  }
0x1d: {  	s5 =	simm.s32 @p1 $0x1;
	p0 =	seq.s32 s7, s2  }
0x1e: {  	s7 =	smul.u32 @!p0 $0xF7A, s2;
	p2 =	seq.s32 @!p0 s5, $0x0  }
0x1f: {  	s9 =	smul.u32 $0xF7A, s1;
	s8 =	simm.s32 @!p0 $0x1BF5;
	p2 =	por !p2, p0  }
0x20: {  	[sflag:s8] =	ssyncset.s32 @!p0 $0xFFFFF086;
	s6 =	sadd.s32 @!p0 s3, s7;
	s7 =	simm.s32 @!p0 $0x108  }
0x21: {  	s3 =	sadd.s32 s3, s9;
	s6 =	sadd.s32 @!p0 $0x88, s6;
	s7 =	simm.s32 @p2 $0x1082  }
0x22: {  	[simem:s7], [sflag:s8] =	dma.local @!p0 [hbm:s6], $0xF7A  }
0x23: {  	s9 =	sor.u32 $0xD0000000, s2;
	s6 =	simm.s32 $0x108;
	_ =	swait.ge @!p0 [sflag:s8], $0x0  }
0x24: {  	s3 =	sadd.s32 $0x88, s3;
	s6 =	simm.s32 @!p1 $0x1082;
	[sflag:s4] =	ssyncset.s32 $0xFFFFF086  }
0x25: {  	[simem:s6], [sflag:s4] =	dma.local [hbm:s3], $0xF7A  }
0x26: {  	[smem:$0x3F9F] =	sst s1;
	(tag) =	ssettag s2;
	_ =	strace s9  }
0x27: {  	s1 =	sld [smem:$0x3FAF]  }
0x28: {  	s2 =	sld [smem:$0x3FB0]  }
0x29: {  	s4 =	sld [smem:$0x3FB2]  }
0x2a: {  	p0 =	seq.s32 s5, $0x0;
	s5 =	sld [smem:$0x3FB3]  }
0x2b: {  	s6 =	sld [smem:$0x3FB4]  }
0x2c: {  	s7 =	sld [smem:$0x3FB5]  }
0x2d: {  	s3 =	simm.s32 $0x108;
	s8 =	sld [smem:$0x3FB6]  }
0x2e: {  	s3 =	simm.s32 @!p0 $0x1082;
	s9 =	sld [smem:$0x3FB7]  }
0x2f: {  	lr =	sadd.s32 s0, s3;
	s0 =	sld [smem:$0x3FAE]  }
0x30: {  	s3 =	sld [smem:$0x3FB1]  }
0x31: {  	[smem:$0x3FBA] =	sst s10  }
0x32: {  	s10 =	sld [smem:$0x3FB8];
	_ =	sdelay $0x3  }
0x33: {  	p0 =	seq.s32 s10, $0x1;
	s10 =	sld [smem:$0x3FBA];
	_ =	sdelay $0x3  }
0x34: {  	[smem:$0x3FBA] =	sst s10  }
0x35: {  	s10 =	sld [smem:$0x3FB9];
	_ =	sdelay $0x3  }
0x36: {  	p1 =	seq.s32 s10, $0x1;
	s10 =	sld [smem:$0x3FBA];
	_ =	sdelay $0x3  }
0x37: {  	[smem:$0x3FBA] =	sst s10  }
0x38: {  	s10 =	sld [smem:$0x3FBB]  }
0x39: {  	_ = 	snop;
	(pc) =	sbr.ind lr, $3  }
0x3a: {  	_ = 	snop  }
0x3b: {  	_ = 	snop  }
0x3c: {  	p2 =	seq.s32 s10, $0x1;
	s10 =	sld [smem:$0x3FBA]  }
0x3d: {  	_ =	shalt  }
0x3e: {  	_ =	shalt  }
0x3f: {  	_ =	shalt  }
0x40: {  	_ =	shalt  }
0x41: {  	_ =	shalt  }
0x42: {  	_ =	shalt  }
0x43: {  	_ =	shalt  }
0x44: {  	_ =	shalt  }
0x45: {  	_ =	shalt  }
0x46: {  	_ =	shalt  }
0x47: {  	_ =	shalt  }
0x48: {  	_ =	shalt  }
0x49: {  	_ =	shalt  }
0x4a: {  	_ =	shalt  }
0x4b: {  	_ =	shalt  }
0x4c: {  	_ =	shalt  }
0x4d: {  	_ =	shalt  }
0x4e: {  	_ =	shalt  }
0x4f: {  	_ =	shalt  }
0x50: {  	_ =	shalt  }
0x51: {  	_ =	shalt  }
0x52: {  	_ =	shalt  }
0x53: {  	_ =	shalt  }
0x54: {  	_ =	shalt  }
0x55: {  	_ =	shalt  }
0x56: {  	_ =	shalt  }
0x57: {  	_ =	shalt  }
0x58: {  	_ =	shalt  }
0x59: {  	_ =	shalt  }
0x5a: {  	_ =	shalt  }
0x5b: {  	_ =	shalt  }
0x5c: {  	_ =	shalt  }
0x5d: {  	_ =	shalt  }
0x5e: {  	_ =	shalt  }
0x5f: {  	_ =	shalt  }
0x60: {  	_ =	shalt  }
0x61: {  	_ =	shalt  }
0x62: {  	_ =	shalt  }
0x63: {  	_ =	shalt  }
0x64: {  	_ =	shalt  }
0x65: {  	_ =	shalt  }
0x66: {  	_ =	shalt  }
0x67: {  	_ =	shalt  }
0x68: {  	_ =	shalt  }
0x69: {  	_ =	shalt  }
0x6a: {  	_ =	shalt  }
0x6b: {  	_ =	shalt  }
0x6c: {  	_ =	shalt  }
0x6d: {  	_ =	shalt  }
0x6e: {  	_ =	shalt  }
0x6f: {  	_ =	shalt  }
0x70: {  	_ =	shalt  }
0x71: {  	_ =	shalt  }
0x72: {  	_ =	shalt  }
0x73: {  	_ =	shalt  }
0x74: {  	_ =	shalt  }
0x75: {  	_ =	shalt  }
0x76: {  	_ =	shalt  }
0x77: {  	_ =	shalt  }
0x78: {  	_ =	shalt  }
0x79: {  	_ =	shalt  }
0x7a: {  	_ =	shalt  }
0x7b: {  	_ =	shalt  }
0x7c: {  	_ =	shalt  }
0x7d: {  	_ =	shalt  }
0x7e: {  	_ =	shalt  }
0x7f: {  	_ =	shalt  }
0x80: {  	_ =	shalt  }
0x81: {  	_ =	shalt  }
0x82: {  	_ =	shalt  }
0x83: {  	_ =	shalt  }
0x84: {  	_ =	shalt  }
0x85: {  	_ =	shalt  }
0x86: {  	_ =	shalt  }
0x87: {  	_ =	shalt  }
.Lfunc_end0:
.L_simem_size_0:
called_computation_lowered:
.L_overlay_start_0:
0x88: {  	s2 =	sld [smem:$0x3FD9]  }
0x89: {  	s3 =	sld [smem:$0x3FFE];
	_ =	sdelay $0x1  }
0x8a: {  	s1 =	srdreg.scid  }
0x8b: {  	s0 =	sand.u32 $0x1, s1  }
0x8c: {  	s17 =	sshll.u32 s0, $0xA;
	s2 =	sadd.s32 s3, s2  }
0x8d: {  	s2 =	sadd.s32 s2, s17  }
0x8e: {  	[smem:$0x3FC6] =	sst s2  }
0x8f: {  	_ = 	snop  }
0x90: {  	s2 =	sld [smem:$0x3FD0];
	(tm) =	ssettm $0x1  }
0x91: {  	s18 =	sld [smem:$0x3FFB];
	_ =	sdelay $0x3  }
0x92: {  	_ =	strace s18  }
0x93: {  	s3 =	sld [smem:$0x3FFC];
	_ =	sdelay $0x3  }
0x94: {  	_ =	strace s3  }
0x95: {  	s3 =	sld [smem:$0x3FFD];
	_ =	sdelay $0x3  }
0x96: {  	_ =	strace s3  }
0x97: {  	_ =	strace $0x8FFFFFFF  }
0x98: {  	s19 =	sld [smem:$0x3FDB];
	_ =	sdelay $0x1  }
0x99: {  	s4 =	simm.s32 $_scs_section_size  }
0x9a: {  	s5 =	simm.s32 $_size__tile_overlayer_lowered;
	s6 =	simm.s32 $_tile_overlayer_lowered  }
0x9b: {  	s22 =	simm.s32 $0x1BFF;
	s21 =	sshll.u32 s6, $0x1;
	s3 =	sadd.s32 s4, s19  }
0x9c: {  	s7 =	simm.s32 $0x0;
	s20 =	sshll.u32 s5, $0x1;
	s5 =	sadd.s32 s21, s3  }
0x9d: {  	[timem:s7], [sflag:s22] =	dma.local [hbm:s5], s20  }
0x9e: {  	_ =	swait.ge [sflag:s22], s20  }
0x9f: {  	s4 =	ssub.s32 $0x0, s20;
	[sflag:s22] =	ssyncset.done $0x0  }
0xa0: {  	[sflag:s22] =	ssyncadd.s32 s4;
	_ =	sdelay $0x1  }
0xa1: {  	s23 =	simm.s32 $0x1B8B  }
0xa2: {  	_ =	swait.ge [sflag:s23], $0x1  }
0xa3: {  	[sflag:s23] =	ssyncset.done $0x0  }
0xa4: {  	s25 =	simm.s32 $0x1B8E;
	s24 =	sld [smem:$0x3FFE];
	[sflag:s23] =	ssyncadd.s32 $0xFFFFFFFF  }
0xa5: {  	s26 =	simm.s32 $execute0_lowered;
	[smem:$0x3FD2] =	sst s25  }
0xa6: {  	s5 =	sshll.u32 s26, $0x1;
	_ =	strace $0x80000046;
	[dreg:$0x1] =	wrdreg $0xFFFFFFFF  }
0xa7: {  	s28 =	simm.s32 $_size_execute0_lowered;
	s3 =	sadd.s32 s3, s5;
	[dreg:$0x0] =	wrdreg $0x0  }
0xa8: {  	s5 =	sshll.u32 s28, $0x1;
	[dreg:$0x2] =	wrdreg s3  }
0xa9: {  	[dreg:$0x3] =	wrdreg s5  }
0xaa: {  	[dreg:$0x4] =	wrdreg $0xC0  }
0xab: {  	_ =	task [dreg:s7], $0x5FFFF  }
0xac: {  	[dreg:$0x1] =	wrdreg $0xFFFFFFFF  }
0xad: {  	[dreg:$0x0] =	wrdreg $0x60  }
0xae: {  	[dreg:$0x2] =	wrdreg s24  }
0xaf: {  	[dreg:$0x3] =	wrdreg s2  }
0xb0: {  	[dreg:$0x4] =	wrdreg $0x9  }
0xb1: {  	_ =	task.clear_ibuf [dreg:s7], $0x5FFFF;
	_ =	strace $0x90000046  }
0xb2: {  	s29 =	simm.s32 $0x9;
	_ =	strace $0x80000048  }
0xb3: {  	_ =	swait.ge [sflag:s29], $0x1  }
0xb4: {  	[sflag:s29] =	ssyncadd.s32 $0xFFFFFFFF  }
0xb5: {  	_ =	strace $0x90000048  }
0xb6: {  	_ =	sfence  }
0xb7: {  	s30 =	sld [smem:$0x0];
	_ =	sdelay $0x2  }
0xb8: {  	s31 =	sshll.u32 s1, $0xD;
	s1 =	sshrl.u32 s1, $0x2  }
0xb9: {  	s3 =	sand.u32 $0x4000, s31;
	s1 =	sadd.s32 s1, s30  }
0xba: {  	s0 =	sor.u32 s3, s0;
	s1 =	sshll.u32 s1, $0x11  }
0xbb: {  	s0 =	sor.u32 s1, s0  }
0xbc: {  	s0 =	sadd.s32 $0x8F2B, s0  }
0xbd: {  	[sflag:s0] =	ssyncadd.remote.s32 $0x1  }
0xbe: {  	_ =	sfence.sel $0xFFFF  }
0xbf: {  	[dreg:$0x0] =	wrdreg $0xFFFFFFFF;
	(pc) =	sbr.abs _section_cstart, $3  }
0xc0: {  	[dreg:$0x1] =	wrdreg $0xFFFFFFFF  }
0xc1: {  	_ =	task.clear_ibuf [dreg:s7], $0x2FFFF;
	_ =	strace $0x9FFFFFFF  }
0xc2: {  	(tm) =	ssettm $0x7FFFFFFF  }
0xc3: {  	_ =	shalt  }
tec
execute0_lowered:
.L_overlay_start_1:
0x0: {  	(tag) =	ssettag $0x1  }
0x1: {  	s4 =	rddreg [dreg:$0x0]  }
0x2: {  	s7 =	rddreg [dreg:$0x1]  }
0x3: {  	s0 =	rddreg [dreg:$0x2]  }
0x4: {  	s3 =	srdreg.scid;
	s1 =	stileid.u32;
	s2 =	simm.s32 $0x0  }
0x5: {  	s12 =	simm.s32 $0x1900;
	s13 =	simm.s32 $0x2900;
	s14 =	simm.s32 $0x1  }
0x6: {  	s15 =	simm.s32 $0x20;
	s16 =	simm.s32 $0x2;
	s10 =	smul.u32 $0x64, s1  }
0x7: {  	s17 =	simm.s32 $0x1880;
	s6 =	sand.u32 $0x1, s3;
	s30 =	smul.u32 $0x32000, s1  }
0x8: {  	s18 =	simm.s32 $0x0;
	s25 =	sshll.u32 s1, $0x1;
	s11 =	smul.u32 $0x32, s6  }
0x9: {  	[smem:$0x7FF] =	sst s2;
	s5 =	sor.u32 s6, s25;
	s31 =	smul.u32 $0x19000, s6  }
0xa: {  	s3 =	sadd.s32 $0x1000600, s4;
	s9 =	ssub.s32 $0x2, s6;
	s8 =	smul.u32 $0x320, s5  }
0xb: {  	_ =	strace $0x80000047;
	s26 =	sshrl.u32 s9, $0x1;
	s28 =	smul.u32 $0x19000, s5  }
0xc: {  	s29 =	sadd.s32 s11, s10;
	s10 =	sadd.s32 s30, s7;
	s11 =	simm.s32 $0x80  }
0xd: {  	s4 =	sadd.s32 s8, s4;
	s8 =	ssub.s32 s9, s26;
	s9 =	sadd.s32 s7, s28  }
0xe: {  	s4 =	sadd.s32 $0x600, s4;
	s5 =	smax.u32 s8, $0x1;
	s8 =	sshll.u32 s29, $0xB  }
0xf: {  	s6 =	sadd.s32 $0x18000, s9;
	s8 =	sadd.s32 s8, s7;
	s7 =	sadd.s32 $0x18800, s9  }
0x10: {  	s9 =	sadd.s32 s31, s10;
	s10 =	simm.s32 $0x3;
	s8 =	sadd.s32 $0x800, s8  }
.LBB2_1:
0x11: {  	[tilespmem:s2], [sflag:$0x3] =	stream.linear.gather [hbm4b:s4+s2], $0x1900, $0x38;
	[tilespmem:$0x3900] =	vst v63  }
0x12: {  	_ =	swait.ge [sflag:s10], $0x1900  }
0x13: {  	[sflag:s10] =	ssyncset.done $0x0  }
0x14: {  	[sflag:s10] =	ssyncadd.s32 $0xFFFFE700  }
0x15: {  	[tilespmem:s12], [sflag:$0x1] =	stream.indirect.gather [hbm4b:s3+s11], $0x20, s2, s11, $0xb8;
	[tilespmem:$0x3900] =	vst v63  }
0x16: {  	s19 =	simm.s32 $0x80  }
0x17: {  	[tilespmem:s13], [sflag:$0x2] =	stream.indirect.gather [hbm4b:s3+s11], $0x20, s19, s11, $0xb8;
	[tilespmem:$0x3900] =	vst v63  }
0x18: {  	_ =	swait.ge [sflag:s14], $0x1000  }
0x19: {  	[sflag:s14] =	ssyncset.done $0x0  }
0x1a: {  	s29 =	sadd.s32 $0x0, s9;
	[sflag:s14] =	ssyncadd.s32 $0xFFFFF000  }
0x1b: {  	[hbm4b:s29+s15] =	stream.strided.scatter [tilespmem:s12], [sflag:$0x3], $0x1000, s11, s15, $0x38;
	[tilespmem:$0x3900] =	vst v63  }
0x1c: {  	_ =	swait.ge [sflag:s10], $0x1000  }
0x1d: {  	[sflag:s10] =	ssyncset.done $0x0  }
0x1e: {  	s30 =	simm.s32 $0x100;
	[sflag:s10] =	ssyncadd.s32 $0xFFFFF000  }
0x1f: {  	[tilespmem:s12], [sflag:$0x1] =	stream.indirect.gather [hbm4b:s3+s11], $0x20, s30, s11, $0xb8;
	[tilespmem:$0x3900] =	vst v63  }
0x20: {  	_ =	swait.ge [sflag:s16], $0x1000  }
0x21: {  	[sflag:s16] =	ssyncset.done $0x0  }
0x22: {  	s31 =	sadd.s32 $0x0, s8;
	[sflag:s16] =	ssyncadd.s32 $0xFFFFF000  }
0x23: {  	[hbm4b:s31+s15] =	stream.strided.scatter [tilespmem:s13], [sflag:$0x3], $0x1000, s11, s15, $0x38;
	[tilespmem:$0x3900] =	vst v63  }
0x24: {  	s21 =	simm.s32 $0x2000;
	_ =	swait.ge [sflag:s10], $0x1000  }
0x25: {  	s20 =	simm.s32 $0x200;
	s19 =	simm.s32 $0x1000;
	[sflag:s10] =	ssyncset.done $0x0  }
.LBB2_2:
0x26: {  	p0 =	sne.s32 s21, $0x17000;
	s22 =	sadd.s32 $0xFFFFFF80, s20;
	[sflag:s10] =	ssyncadd.s32 $0xFFFFF000  }
0x27: {  	[tilespmem:s13], [sflag:$0x2] =	stream.indirect.gather [hbm4b:s3+s11], $0x20, s22, s11, $0xb8;
	[tilespmem:$0x3900] =	vst v63  }
0x28: {  	s22 =	smov.u32 s21;
	s21 =	sadd.s32 $0x1000, s21;
	_ =	swait.ge [sflag:s14], $0x1000  }
0x29: {  	[sflag:s14] =	ssyncset.done $0x0  }
0x2a: {  	s23 =	sadd.s32 s19, s9;
	[sflag:s14] =	ssyncadd.s32 $0xFFFFF000  }
0x2b: {  	[hbm4b:s23+s15] =	stream.strided.scatter [tilespmem:s12], [sflag:$0x3], $0x1000, s11, s15, $0x38;
	[tilespmem:$0x3900] =	vst v63  }
0x2c: {  	_ =	swait.ge [sflag:s10], $0x1000  }
0x2d: {  	[sflag:s10] =	ssyncset.done $0x0  }
0x2e: {  	[sflag:s10] =	ssyncadd.s32 $0xFFFFF000  }
0x2f: {  	[tilespmem:s12], [sflag:$0x1] =	stream.indirect.gather [hbm4b:s3+s11], $0x20, s20, s11, $0xb8;
	[tilespmem:$0x3900] =	vst v63  }
0x30: {  	_ =	swait.ge [sflag:s16], $0x1000  }
.Ltmp0:
0x31: {  	[sflag:s16] =	ssyncset.done $0x0;
	(pc) =	sbr.rel @p0 .LBB2_2-.Ltmp0, $4  }
0x32: {  	s23 =	sadd.s32 s19, s8;
	s19 =	smov.u32 s22;
	[sflag:s16] =	ssyncadd.s32 $0xFFFFF000  }
0x33: {  	[hbm4b:s23+s15] =	stream.strided.scatter [tilespmem:s13], [sflag:$0x3], $0x1000, s11, s15, $0x38;
	[tilespmem:$0x3900] =	vst v63  }
0x34: {  	_ =	swait.ge [sflag:s10], $0x1000  }
0x35: {  	s20 =	sadd.s32 $0x100, s20;
	[sflag:s10] =	ssyncset.done $0x0  }
0x36: {  	s21 =	sadd.s32 $0xFFFFFF80, s20;
	[sflag:s10] =	ssyncadd.s32 $0xFFFFF000  }
0x37: {  	[tilespmem:s13], [sflag:$0x2] =	stream.indirect.gather [hbm4b:s3+s11], $0x20, s21, s11, $0xb8;
	[tilespmem:$0x3900] =	vst v63  }
0x38: {  	_ =	swait.ge [sflag:s14], $0x1000  }
0x39: {  	[sflag:s14] =	ssyncset.done $0x0  }
0x3a: {  	s30 =	sadd.s32 s19, s9;
	[sflag:s14] =	ssyncadd.s32 $0xFFFFF000  }
0x3b: {  	[hbm4b:s30+s15] =	stream.strided.scatter [tilespmem:s12], [sflag:$0x3], $0x1000, s11, s15, $0x38;
	[tilespmem:$0x3900] =	vst v63  }
0x3c: {  	_ =	swait.ge [sflag:s10], $0x1000  }
0x3d: {  	[sflag:s10] =	ssyncset.done $0x0  }
0x3e: {  	[sflag:s10] =	ssyncadd.s32 $0xFFFFF000  }
0x3f: {  	[tilespmem:s12], [sflag:$0x1] =	stream.indirect.gather [hbm4b:s3+s11], $0x20, s20, s11, $0xb8;
	[tilespmem:$0x3900] =	vst v63  }
0x40: {  	_ =	swait.ge [sflag:s16], $0x1000  }
0x41: {  	[sflag:s16] =	ssyncset.done $0x0  }
0x42: {  	s31 =	sadd.s32 s19, s8;
	[sflag:s16] =	ssyncadd.s32 $0xFFFFF000  }
0x43: {  	[hbm4b:s31+s15] =	stream.strided.scatter [tilespmem:s13], [sflag:$0x3], $0x1000, s11, s15, $0x38;
	[tilespmem:$0x3900] =	vst v63  }
0x44: {  	_ =	swait.ge [sflag:s10], $0x1000  }
0x45: {  	[sflag:s10] =	ssyncset.done $0x0  }
0x46: {  	[sflag:s10] =	ssyncadd.s32 $0xFFFFF000  }
0x47: {  	[tilespmem:s13], [sflag:$0x2] =	stream.indirect.gather [hbm4b:s3+s11], $0x20, s17, s11, $0xb8;
	[tilespmem:$0x3900] =	vst v63  }
0x48: {  	_ =	swait.ge [sflag:s14], $0x1000  }
0x49: {  	[sflag:s14] =	ssyncset.done $0x0  }
0x4a: {  	[sflag:s14] =	ssyncadd.s32 $0xFFFFF000  }
0x4b: {  	[hbm4b:s6+s15] =	stream.strided.scatter [tilespmem:s12], [sflag:$0x3], $0x1000, s11, s15, $0x38;
	[tilespmem:$0x3900] =	vst v63  }
0x4c: {  	_ =	swait.ge [sflag:s10], $0x1000  }
0x4d: {  	[sflag:s10] =	ssyncset.done $0x0  }
0x4e: {  	[sflag:s10] =	ssyncadd.s32 $0xFFFFF000  }
0x4f: {  	s18 =	sadd.s32 $0x1, s18;
	_ =	swait.ge [sflag:s16], $0x1000  }
0x50: {  	p0 =	sne.s32 s18, s5;
	[sflag:s16] =	ssyncset.done $0x0  }
.Ltmp1:
0x51: {  	[sflag:s16] =	ssyncadd.s32 $0xFFFFF000;
	(pc) =	sbr.rel @p0 .LBB2_1-.Ltmp1, $4  }
0x52: {  	[hbm4b:s7+s15] =	stream.strided.scatter [tilespmem:s13], [sflag:$0x3], $0x1000, s11, s15, $0x38;
	[tilespmem:$0x3900] =	vst v63  }
0x53: {  	_ =	swait.ge [sflag:s10], $0x1000  }
0x54: {  	[sflag:s10] =	ssyncset.done $0x0  }
0x55: {  	[sflag:s10] =	ssyncadd.s32 $0xFFFFF000  }
0x56: {  	_ =	sfence.sel $0x180000  }
0x57: {  	[bflag:$0x0] =	sbarrier.arrive $0xFFFF  }
0x58: {  	p0 =	sne.s32 s1, $0x0;
	_ =	strace $0x90000047  }
0x59: {  	s0 =	sadd.s32 @!p0 $0x100000, s0;
	[bflag:$0x2] =	sbarrier.arrive $0xFFFF  }
0x5a: {  	[sflag:s0] =	ssyncadd.tile.s32 @!p0 $0x1;
	_ =	shalt  }
.Lfunc_end2:
_tile_overlayer_lowered:
.L_overlay_start_2:
0x5b: {  	(tag) =	ssettag $0x2  }
0x5c: {  	s0 =	rddreg [dreg:$0x0];
	s2 =	stileid.u32  }
0x5d: {  	s1 =	rddreg [dreg:$0x1];
	p0 =	sne.s32 s2, $0x0  }
0x5e: {  	s3 =	rddreg [dreg:$0x2];
	[bflag:$0x3] =	sbarrier.arrive $0xFFFF;
	s2 =	simm.s32 @!p0 $0x1C03  }
0x5f: {  	[timem:s3], [sflag:s2] =	dma.local @!p0 [hbm:s0], s1  }
0x60: {  	s0 =	simm.s32 @!p0 $0x3  }
0x61: {  	_ =	swait.ge @!p0 [sflag:s0], s1  }
0x62: {  	s1 =	ssub.s32 @!p0 $0x0, s1;
	[sflag:s0] =	ssyncset.done @!p0 $0x0  }
0x63: {  	[sflag:s0] =	ssyncadd.s32 @!p0 s1  }
0x64: {  	[bflag:$0x3] =	sbarrier.arrive $0xFFFF  }
0x65: {  	_ =	shalt  }

</sc_bundles>
